<compile_context>
chip_gen: v7x
topology: tpu7x:2x2x1
jax: 0.10.2.dev20260603
libtpu: 0.0.44.dev20260713+nightly
codegen_flags: <defaults>
</compile_context>

<pallas_src>
import functools

import jax
import jax.numpy as jnp
from jax import lax
from jax.experimental import pallas as pl
from jax.experimental.pallas import tpu as pltpu
from jax.experimental.pallas import tpu_sc as plsc

_LANES = 128
_SC_WORKERS = 32
_SC_CHUNK = 10000
_SC_VECLEN = 16


def _sc_gather(u_flat, batch):
    E = batch.shape[0]
    V = u_flat.shape[0]
    per_w = E // _SC_WORKERS
    n_chunks = per_w // _SC_CHUNK
    mesh = plsc.VectorSubcoreMesh(core_axis_name="c", subcore_axis_name="s")

    @functools.partial(
        pl.kernel,
        mesh=mesh,
        out_type=jax.ShapeDtypeStruct((E,), jnp.float32),
        scratch_types=[
            pltpu.VMEM((V,), jnp.float32),
            pltpu.VMEM((_SC_CHUNK,), jnp.int32),
            pltpu.VMEM((_SC_CHUNK,), jnp.float32),
        ],
        compiler_params=pltpu.CompilerParams(needs_layout_passes=False),
    )
    def gather_kernel(u_hbm, idx_hbm, out_hbm, u_v, idx_v, out_v):
        wid = lax.axis_index("s") * 2 + lax.axis_index("c")
        base = wid * per_w
        pltpu.sync_copy(u_hbm, u_v)

        def chunk_body(c, carry):
            off = base + c * _SC_CHUNK
            pltpu.sync_copy(idx_hbm.at[pl.ds(off, _SC_CHUNK)], idx_v)

            def vec_body(n, carry2):
                iv = idx_v[pl.ds(n * _SC_VECLEN, _SC_VECLEN)]
                out_v[pl.ds(n * _SC_VECLEN, _SC_VECLEN)] = plsc.load_gather(
                    u_v, [iv])
                return carry2

            lax.fori_loop(0, _SC_CHUNK // _SC_VECLEN, vec_body, 0, unroll=8)
            pltpu.sync_copy(out_v, out_hbm.at[pl.ds(off, _SC_CHUNK)])
            return carry

        lax.fori_loop(0, n_chunks, chunk_body, 0)

    return gather_kernel(u_flat, batch)


def _mlp_body(s_ref, d_ref, e_ref, g_ref, w1_ref, b1_ref, w2_ref, b2_ref,
              o_ref):
    x = jnp.concatenate(
        [s_ref[...], d_ref[...], e_ref[...], g_ref[...]], axis=1)
    xb = x.astype(jnp.bfloat16)
    h = lax.dot_general(xb, w1_ref[...], (((1,), (0,)), ((), ())),
                        preferred_element_type=jnp.float32)
    h = jnp.maximum(h + b1_ref[...], 0.0).astype(jnp.bfloat16)
    o = lax.dot_general(h, w2_ref[...], (((1,), (0,)), ((), ())),
                        preferred_element_type=jnp.float32)
    o_ref[...] = o + b2_ref[...]


def _tc_mlp(s2, d2, e2, g2, W1, b1, W2, b2):
    M = s2.shape[0]
    F, H = W1.shape
    K = W2.shape[1]
    R = 1000

    eye = jnp.eye(_LANES, dtype=jnp.float32)
    w1p = (W1[:, None, :, None] * eye[None, :, None, :]).reshape(
        F * _LANES, H * _LANES).astype(jnp.bfloat16)
    w2p = (W2[:, None, None, :] * eye[None, :, :, None]).reshape(
        H * _LANES, K * _LANES).astype(jnp.bfloat16)
    b1eff = jnp.repeat(b1, _LANES)[None, :]
    b2eff = jnp.tile(b2, _LANES)[None, :]

    block = lambda r, c: pl.BlockSpec((r, c), lambda i: (i, 0))
    fixed = lambda r, c: pl.BlockSpec((r, c), lambda i: (0, 0))
    return pl.pallas_call(
        _mlp_body,
        grid=(M // R,),
        in_specs=[
            block(R, _LANES), block(R, _LANES),
            block(R, _LANES), block(R, _LANES),
            fixed(F * _LANES, H * _LANES), fixed(1, H * _LANES),
            fixed(H * _LANES, K * _LANES), fixed(1, K * _LANES),
        ],
        out_specs=block(R, K * _LANES),
        out_shape=jax.ShapeDtypeStruct((M, K * _LANES), jnp.float32),
        compiler_params=pltpu.CompilerParams(
            dimension_semantics=("parallel",)),
    )(s2, d2, e2, g2, w1p, b1eff, w2p, b2eff)


def kernel(src, dest, edge_attr, u, batch, W1, b1, W2, b2):
    E = src.shape[0]
    K = W2.shape[1]
    M = E // _LANES
    ug = _sc_gather(u.reshape(-1), batch)
    out = _tc_mlp(
        src.reshape(M, _LANES), dest.reshape(M, _LANES),
        edge_attr.reshape(M, _LANES), ug.reshape(M, _LANES),
        W1, b1, W2, b2)
    return out.reshape(E, K)

# --- scband reference (transcript-rebuilt; emitter-appended) ---
"""Pipeline reference for scband-edge-model-86397562127190 (READ-ONLY COPY).

The authoritative reference and input builder live on the scoring server;
editing this copy changes nothing except your own understanding.
"""

import jax, jax.numpy as jnp
import numpy as np

E = 6400000
NUM_GRAPHS = 1024

def setup_inputs(seed: int = 0) -> dict:
    key = jax.random.key(seed)
    k1, k2, k3, k4, k5, k6, k7, k8, k9 = jax.random.split(key, 9)
    src = jax.random.normal(k1, (E, 1), dtype=jnp.float32)
    dest = jax.random.normal(k2, (E, 1), dtype=jnp.float32)
    edge_attr = jax.random.normal(k3, (E, 1), dtype=jnp.float32)
    u = jax.random.normal(k4, (NUM_GRAPHS, 1), dtype=jnp.float32)
    batch = jax.random.randint(k5, (E,), 0, NUM_GRAPHS, dtype=jnp.int64 if jax.config.jax_enable_x64 else jnp.int32)
    # MLP parameters: Lin(4,10) -> ReLU -> Lin(10,19), kaiming-uniform style init
    lim1 = 1.0 / np.sqrt(4.0)
    W1 = jax.random.uniform(k6, (4, 10), dtype=jnp.float32, minval=-lim1, maxval=lim1)
    b1 = jax.random.uniform(k7, (10,), dtype=jnp.float32, minval=-lim1, maxval=lim1)
    lim2 = 1.0 / np.sqrt(10.0)
    W2 = jax.random.uniform(k8, (10, 19), dtype=jnp.float32, minval=-lim2, maxval=lim2)
    b2 = jax.random.uniform(k9, (19,), dtype=jnp.float32, minval=-lim2, maxval=lim2)
    return {"src": src, "dest": dest, "edge_attr": edge_attr, "u": u, "batch": batch,
            "W1": W1, "b1": b1, "W2": W2, "b2": b2}

def reference(src, dest, edge_attr, u, batch, W1, b1, W2, b2):
    u_gathered = jnp.take(u, batch, axis=0)  # gather per-edge global state
    out = jnp.concatenate([src, dest, edge_attr, u_gathered], axis=1)  # [E, 4]
    h = jax.nn.relu(out @ W1 + b1)
    return h @ W2 + b2  # [E, 19]

if __name__ == "__main__":
    import jax
    _d = setup_inputs()
    print(jax.jit(kernel)(*tuple(_d.values())))

</pallas_src>

<mosaic_0001>
#map = affine_map<(d0, d1) -> (0)>
module attributes {stable_mosaic.version = 14 : i64} {
  func.func @gather_kernel(%arg0: i32, %arg1: i32, %arg2: memref<1024xf32, #tpu.memory_space<hbm>>, %arg3: memref<6400000xi32, #tpu.memory_space<hbm>>, %arg4: memref<6400000xf32, #tpu.memory_space<hbm>>, %arg5: memref<1024xf32, #tpu.memory_space<vmem>>, %arg6: memref<10000xi32, #tpu.memory_space<vmem>>, %arg7: memref<10000xf32, #tpu.memory_space<vmem>>) attributes {dimension_semantics = [#tpu.dimension_semantics<core_parallel>, #tpu.dimension_semantics<subcore_parallel>], iteration_bounds = array<i64: 2, 16>, scalar_prefetch = 0 : i64, scratch_operands = 3 : i64, tpu.core_type = #tpu.core_type<sc_vector_subcore>, window_params = [{transform_indices = #map}, {transform_indices = #map}, {transform_indices = #map}]} {
    %mul3A = arith.constant 2 : i32
    %mul3A_0 = arith.muli %arg1, %mul3A : i32
    %add3A = arith.addi %mul3A_0, %arg0 : i32
    %mul3A_1 = arith.constant 200000 : i32
    %mul3A_2 = arith.muli %add3A, %mul3A_1 : i32
    "tpu.region"() ({
      %run_scoped3A = tpu.sem_alloc : memref<!tpu.dma_semaphore, #tpu.memory_space<semaphore_mem>>
      tpu.enqueue_dma source(%arg2 : memref<1024xf32, #tpu.memory_space<hbm>>) target(%arg5 : memref<1024xf32, #tpu.memory_space<vmem>>) target_semaphore(%run_scoped3A : memref<!tpu.dma_semaphore, #tpu.memory_space<semaphore_mem>>)
      tpu.wait_dma2 semaphore(%run_scoped3A : memref<!tpu.dma_semaphore, #tpu.memory_space<semaphore_mem>>) src(%arg2 : memref<1024xf32, #tpu.memory_space<hbm>>) dst(%arg5 : memref<1024xf32, #tpu.memory_space<vmem>>)
      tpu.yield
    }) : () -> ()
    %scan3A = arith.constant 0 : i32
    %scan3A_3 = arith.constant 0 : i32
    %scan3A_4 = arith.constant 20 : i32
    %scan3A_5 = arith.addi %scan3A_3, %scan3A_4 : i32
    %scan3A_6 = arith.constant 1 : i32
    scf.for %scan3A_8 = %scan3A_3 to %scan3A_5 step %scan3A_6  : i32 {
      %mul3A_9 = arith.constant 10000 : i32
      %mul3A_10 = arith.muli %scan3A_8, %mul3A_9 : i32
      %add3A_11 = arith.addi %mul3A_2, %mul3A_10 : i32
      "tpu.region"() ({
        %run_scoped3A = tpu.sem_alloc : memref<!tpu.dma_semaphore, #tpu.memory_space<semaphore_mem>>
        %dma_start3A = tpu.memref_slice %arg3[%add3A_11] : memref<6400000xi32, #tpu.memory_space<hbm>> -> memref<10000xi32, #tpu.memory_space<hbm>>
        %dma_start3A_26 = tpu.memref_slice %arg3[%add3A_11] : memref<6400000xi32, #tpu.memory_space<hbm>> -> memref<10000xi32, #tpu.memory_space<hbm>>
        tpu.enqueue_dma source(%dma_start3A_26 : memref<10000xi32, #tpu.memory_space<hbm>>) target(%arg6 : memref<10000xi32, #tpu.memory_space<vmem>>) target_semaphore(%run_scoped3A : memref<!tpu.dma_semaphore, #tpu.memory_space<semaphore_mem>>)
        %dma_wait3A = tpu.memref_slice %arg3[%add3A_11] : memref<6400000xi32, #tpu.memory_space<hbm>> -> memref<10000xi32, #tpu.memory_space<hbm>>
        %dma_wait3A_27 = tpu.memref_slice %arg3[%add3A_11] : memref<6400000xi32, #tpu.memory_space<hbm>> -> memref<10000xi32, #tpu.memory_space<hbm>>
        tpu.wait_dma2 semaphore(%run_scoped3A : memref<!tpu.dma_semaphore, #tpu.memory_space<semaphore_mem>>) src(%dma_wait3A_27 : memref<10000xi32, #tpu.memory_space<hbm>>) dst(%arg6 : memref<10000xi32, #tpu.memory_space<vmem>>)
        tpu.yield
      }) : () -> ()
      %scan3A_12 = arith.constant 0 : i32
      %scan3A_13 = arith.constant 0 : i32
      %scan3A_14 = arith.constant 624 : i32
      %scan3A_15 = arith.addi %scan3A_13, %scan3A_14 : i32
      %scan3A_16 = arith.constant 8 : i32
      scf.for %scan3A_26 = %scan3A_13 to %scan3A_15 step %scan3A_16  : i32 {
        %mul3A_27 = arith.constant 16 : i32
        %mul3A_28 = arith.muli %scan3A_26, %mul3A_27 : i32
        %get3A_29 = arith.index_cast %mul3A_28 : i32 to index
        %get3A_30 = tpu.vector_load %arg6[%get3A_29] {strides = array<i32>} : memref<10000xi32, #tpu.memory_space<vmem>>, vector<16xi32>,
        %gather3A_31 = tpu.vector_load_idx %arg5[%get3A_30] : memref<1024xf32, #tpu.memory_space<vmem>>[vector<16xi32>], vector<16xf32>,
        %mul3A_32 = arith.constant 16 : i32
        %mul3A_33 = arith.muli %scan3A_26, %mul3A_32 : i32
        %swap3A_34 = arith.index_cast %mul3A_33 : i32 to index
        %swap3A_35 = tpu.vector_load %arg7[%swap3A_34] {strides = array<i32>} : memref<10000xf32, #tpu.memory_space<vmem>>, vector<16xf32>,
        tpu.vector_store %arg7[%swap3A_34], %gather3A_31 {strides = array<i32>} : memref<10000xf32, #tpu.memory_space<vmem>>, vector<16xf32>,
        %scan3A_36 = arith.constant 1 : i32
        %scan3A_37 = arith.addi %scan3A_26, %scan3A_36 : i32
        %mul3A_38 = arith.constant 16 : i32
        %mul3A_39 = arith.muli %scan3A_37, %mul3A_38 : i32
        %get3A_40 = arith.index_cast %mul3A_39 : i32 to index
        %get3A_41 = tpu.vector_load %arg6[%get3A_40] {strides = array<i32>} : memref<10000xi32, #tpu.memory_space<vmem>>, vector<16xi32>,
        %gather3A_42 = tpu.vector_load_idx %arg5[%get3A_41] : memref<1024xf32, #tpu.memory_space<vmem>>[vector<16xi32>], vector<16xf32>,
        %mul3A_43 = arith.constant 16 : i32
        %mul3A_44 = arith.muli %scan3A_37, %mul3A_43 : i32
        %swap3A_45 = arith.index_cast %mul3A_44 : i32 to index
        %swap3A_46 = tpu.vector_load %arg7[%swap3A_45] {strides = array<i32>} : memref<10000xf32, #tpu.memory_space<vmem>>, vector<16xf32>,
        tpu.vector_store %arg7[%swap3A_45], %gather3A_42 {strides = array<i32>} : memref<10000xf32, #tpu.memory_space<vmem>>, vector<16xf32>,
        %scan3A_47 = arith.constant 2 : i32
        %scan3A_48 = arith.addi %scan3A_26, %scan3A_47 : i32
        %mul3A_49 = arith.constant 16 : i32
        %mul3A_50 = arith.muli %scan3A_48, %mul3A_49 : i32
        %get3A_51 = arith.index_cast %mul3A_50 : i32 to index
        %get3A_52 = tpu.vector_load %arg6[%get3A_51] {strides = array<i32>} : memref<10000xi32, #tpu.memory_space<vmem>>, vector<16xi32>,
        %gather3A_53 = tpu.vector_load_idx %arg5[%get3A_52] : memref<1024xf32, #tpu.memory_space<vmem>>[vector<16xi32>], vector<16xf32>,
        %mul3A_54 = arith.constant 16 : i32
        %mul3A_55 = arith.muli %scan3A_48, %mul3A_54 : i32
        %swap3A_56 = arith.index_cast %mul3A_55 : i32 to index
        %swap3A_57 = tpu.vector_load %arg7[%swap3A_56] {strides = array<i32>} : memref<10000xf32, #tpu.memory_space<vmem>>, vector<16xf32>,
        tpu.vector_store %arg7[%swap3A_56], %gather3A_53 {strides = array<i32>} : memref<10000xf32, #tpu.memory_space<vmem>>, vector<16xf32>,
        %scan3A_58 = arith.constant 3 : i32
        %scan3A_59 = arith.addi %scan3A_26, %scan3A_58 : i32
        %mul3A_60 = arith.constant 16 : i32
        %mul3A_61 = arith.muli %scan3A_59, %mul3A_60 : i32
        %get3A_62 = arith.index_cast %mul3A_61 : i32 to index
        %get3A_63 = tpu.vector_load %arg6[%get3A_62] {strides = array<i32>} : memref<10000xi32, #tpu.memory_space<vmem>>, vector<16xi32>,
        %gather3A_64 = tpu.vector_load_idx %arg5[%get3A_63] : memref<1024xf32, #tpu.memory_space<vmem>>[vector<16xi32>], vector<16xf32>,
        %mul3A_65 = arith.constant 16 : i32
        %mul3A_66 = arith.muli %scan3A_59, %mul3A_65 : i32
        %swap3A_67 = arith.index_cast %mul3A_66 : i32 to index
        %swap3A_68 = tpu.vector_load %arg7[%swap3A_67] {strides = array<i32>} : memref<10000xf32, #tpu.memory_space<vmem>>, vector<16xf32>,
        tpu.vector_store %arg7[%swap3A_67], %gather3A_64 {strides = array<i32>} : memref<10000xf32, #tpu.memory_space<vmem>>, vector<16xf32>,
        %scan3A_69 = arith.constant 4 : i32
        %scan3A_70 = arith.addi %scan3A_26, %scan3A_69 : i32
        %mul3A_71 = arith.constant 16 : i32
        %mul3A_72 = arith.muli %scan3A_70, %mul3A_71 : i32
        %get3A_73 = arith.index_cast %mul3A_72 : i32 to index
        %get3A_74 = tpu.vector_load %arg6[%get3A_73] {strides = array<i32>} : memref<10000xi32, #tpu.memory_space<vmem>>, vector<16xi32>,
        %gather3A_75 = tpu.vector_load_idx %arg5[%get3A_74] : memref<1024xf32, #tpu.memory_space<vmem>>[vector<16xi32>], vector<16xf32>,
        %mul3A_76 = arith.constant 16 : i32
        %mul3A_77 = arith.muli %scan3A_70, %mul3A_76 : i32
        %swap3A_78 = arith.index_cast %mul3A_77 : i32 to index
        %swap3A_79 = tpu.vector_load %arg7[%swap3A_78] {strides = array<i32>} : memref<10000xf32, #tpu.memory_space<vmem>>, vector<16xf32>,
        tpu.vector_store %arg7[%swap3A_78], %gather3A_75 {strides = array<i32>} : memref<10000xf32, #tpu.memory_space<vmem>>, vector<16xf32>,
        %scan3A_80 = arith.constant 5 : i32
        %scan3A_81 = arith.addi %scan3A_26, %scan3A_80 : i32
        %mul3A_82 = arith.constant 16 : i32
        %mul3A_83 = arith.muli %scan3A_81, %mul3A_82 : i32
        %get3A_84 = arith.index_cast %mul3A_83 : i32 to index
        %get3A_85 = tpu.vector_load %arg6[%get3A_84] {strides = array<i32>} : memref<10000xi32, #tpu.memory_space<vmem>>, vector<16xi32>,
        %gather3A_86 = tpu.vector_load_idx %arg5[%get3A_85] : memref<1024xf32, #tpu.memory_space<vmem>>[vector<16xi32>], vector<16xf32>,
        %mul3A_87 = arith.constant 16 : i32
        %mul3A_88 = arith.muli %scan3A_81, %mul3A_87 : i32
        %swap3A_89 = arith.index_cast %mul3A_88 : i32 to index
        %swap3A_90 = tpu.vector_load %arg7[%swap3A_89] {strides = array<i32>} : memref<10000xf32, #tpu.memory_space<vmem>>, vector<16xf32>,
        tpu.vector_store %arg7[%swap3A_89], %gather3A_86 {strides = array<i32>} : memref<10000xf32, #tpu.memory_space<vmem>>, vector<16xf32>,
        %scan3A_91 = arith.constant 6 : i32
        %scan3A_92 = arith.addi %scan3A_26, %scan3A_91 : i32
        %mul3A_93 = arith.constant 16 : i32
        %mul3A_94 = arith.muli %scan3A_92, %mul3A_93 : i32
        %get3A_95 = arith.index_cast %mul3A_94 : i32 to index
        %get3A_96 = tpu.vector_load %arg6[%get3A_95] {strides = array<i32>} : memref<10000xi32, #tpu.memory_space<vmem>>, vector<16xi32>,
        %gather3A_97 = tpu.vector_load_idx %arg5[%get3A_96] : memref<1024xf32, #tpu.memory_space<vmem>>[vector<16xi32>], vector<16xf32>,
        %mul3A_98 = arith.constant 16 : i32
        %mul3A_99 = arith.muli %scan3A_92, %mul3A_98 : i32
        %swap3A_100 = arith.index_cast %mul3A_99 : i32 to index
        %swap3A_101 = tpu.vector_load %arg7[%swap3A_100] {strides = array<i32>} : memref<10000xf32, #tpu.memory_space<vmem>>, vector<16xf32>,
        tpu.vector_store %arg7[%swap3A_100], %gather3A_97 {strides = array<i32>} : memref<10000xf32, #tpu.memory_space<vmem>>, vector<16xf32>,
        %scan3A_102 = arith.constant 7 : i32
        %scan3A_103 = arith.addi %scan3A_26, %scan3A_102 : i32
        %mul3A_104 = arith.constant 16 : i32
        %mul3A_105 = arith.muli %scan3A_103, %mul3A_104 : i32
        %get3A_106 = arith.index_cast %mul3A_105 : i32 to index
        %get3A_107 = tpu.vector_load %arg6[%get3A_106] {strides = array<i32>} : memref<10000xi32, #tpu.memory_space<vmem>>, vector<16xi32>,
        %gather3A_108 = tpu.vector_load_idx %arg5[%get3A_107] : memref<1024xf32, #tpu.memory_space<vmem>>[vector<16xi32>], vector<16xf32>,
        %mul3A_109 = arith.constant 16 : i32
        %mul3A_110 = arith.muli %scan3A_103, %mul3A_109 : i32
        %swap3A_111 = arith.index_cast %mul3A_110 : i32 to index
        %swap3A_112 = tpu.vector_load %arg7[%swap3A_111] {strides = array<i32>} : memref<10000xf32, #tpu.memory_space<vmem>>, vector<16xf32>,
        tpu.vector_store %arg7[%swap3A_111], %gather3A_108 {strides = array<i32>} : memref<10000xf32, #tpu.memory_space<vmem>>, vector<16xf32>,
      }
      %scan3A_17 = arith.constant 624 : i32
      %scan3A_18 = arith.addi %scan3A_13, %scan3A_17 : i32
      %mul3A_19 = arith.constant 16 : i32
      %mul3A_20 = arith.muli %scan3A_18, %mul3A_19 : i32
      %get3A = arith.index_cast %mul3A_20 : i32 to index
      %get3A_21 = tpu.vector_load %arg6[%get3A] {strides = array<i32>} : memref<10000xi32, #tpu.memory_space<vmem>>, vector<16xi32>,
      %gather3A = tpu.vector_load_idx %arg5[%get3A_21] : memref<1024xf32, #tpu.memory_space<vmem>>[vector<16xi32>], vector<16xf32>,
      %mul3A_22 = arith.constant 16 : i32
      %mul3A_23 = arith.muli %scan3A_18, %mul3A_22 : i32
      %swap3A = arith.index_cast %mul3A_23 : i32 to index
      %swap3A_24 = tpu.vector_load %arg7[%swap3A] {strides = array<i32>} : memref<10000xf32, #tpu.memory_space<vmem>>, vector<16xf32>,
      tpu.vector_store %arg7[%swap3A], %gather3A {strides = array<i32>} : memref<10000xf32, #tpu.memory_space<vmem>>, vector<16xf32>,
      %scan3A_25 = arith.constant 625 : i32
      "tpu.region"() ({
        %run_scoped3A = tpu.sem_alloc : memref<!tpu.dma_semaphore, #tpu.memory_space<semaphore_mem>>
        %dma_start3A = tpu.memref_slice %arg4[%add3A_11] : memref<6400000xf32, #tpu.memory_space<hbm>> -> memref<10000xf32, #tpu.memory_space<hbm>>
        %dma_start3A_26 = tpu.memref_slice %arg4[%add3A_11] : memref<6400000xf32, #tpu.memory_space<hbm>> -> memref<10000xf32, #tpu.memory_space<hbm>>
        tpu.enqueue_dma source(%arg7 : memref<10000xf32, #tpu.memory_space<vmem>>) target(%dma_start3A_26 : memref<10000xf32, #tpu.memory_space<hbm>>) target_semaphore(%run_scoped3A : memref<!tpu.dma_semaphore, #tpu.memory_space<semaphore_mem>>)
        %dma_wait3A = tpu.memref_slice %arg4[%add3A_11] : memref<6400000xf32, #tpu.memory_space<hbm>> -> memref<10000xf32, #tpu.memory_space<hbm>>
        %dma_wait3A_27 = tpu.memref_slice %arg4[%add3A_11] : memref<6400000xf32, #tpu.memory_space<hbm>> -> memref<10000xf32, #tpu.memory_space<hbm>>
        tpu.wait_dma2 semaphore(%run_scoped3A : memref<!tpu.dma_semaphore, #tpu.memory_space<semaphore_mem>>) src(%arg7 : memref<10000xf32, #tpu.memory_space<vmem>>) dst(%dma_wait3A_27 : memref<10000xf32, #tpu.memory_space<hbm>>)
        tpu.yield
      }) : () -> ()
    }
    %scan3A_7 = arith.constant 20 : i32
    return
  }
}

module attributes {stable_mosaic.version = 14 : i64} {
  func.func @_mlp_body(%arg0: i32, %arg1: memref<1000x128xf32, #tpu.memory_space<vmem>>, %arg2: memref<1000x128xf32, #tpu.memory_space<vmem>>, %arg3: memref<1000x128xf32, #tpu.memory_space<vmem>>, %arg4: memref<1000x128xf32, #tpu.memory_space<vmem>>, %arg5: memref<512x1280xbf16, #tpu.memory_space<vmem>>, %arg6: memref<1x1280xf32, #tpu.memory_space<vmem>>, %arg7: memref<1280x2432xbf16, #tpu.memory_space<vmem>>, %arg8: memref<1x2432xf32, #tpu.memory_space<vmem>>, %arg9: memref<1000x2432xf32, #tpu.memory_space<vmem>>) attributes {dimension_semantics = [#tpu.dimension_semantics<parallel>], iteration_bounds = array<i64: 50>, scalar_prefetch = 0 : i64, scratch_operands = 0 : i64, tpu.core_type = #tpu.core_type<tc>, window_params = [{transform_indices = @transform_0, window_bounds = array<i64: 1000, 128>}, {transform_indices = @transform_1, window_bounds = array<i64: 1000, 128>}, {transform_indices = @transform_2, window_bounds = array<i64: 1000, 128>}, {transform_indices = @transform_3, window_bounds = array<i64: 1000, 128>}, {pipeline_mode = #tpu.pipeline_mode<synchronous>, transform_indices = @transform_4, window_bounds = array<i64: 512, 1280>}, {pipeline_mode = #tpu.pipeline_mode<synchronous>, transform_indices = @transform_5, window_bounds = array<i64: 1, 1280>}, {pipeline_mode = #tpu.pipeline_mode<synchronous>, transform_indices = @transform_6, window_bounds = array<i64: 1280, 2432>}, {pipeline_mode = #tpu.pipeline_mode<synchronous>, transform_indices = @transform_7, window_bounds = array<i64: 1, 2432>}, {transform_indices = @transform_8, window_bounds = array<i64: 1000, 2432>}]} {
    %get3A = arith.constant 0 : index
    %get3A_0 = arith.constant 0 : index
    %get3A_1 = vector.load %arg1[%get3A, %get3A_0] : memref<1000x128xf32, #tpu.memory_space<vmem>>, vector<1000x128xf32>
    %get3A_2 = arith.constant 0 : index
    %get3A_3 = arith.constant 0 : index
    %get3A_4 = vector.load %arg2[%get3A_2, %get3A_3] : memref<1000x128xf32, #tpu.memory_space<vmem>>, vector<1000x128xf32>
    %get3A_5 = arith.constant 0 : index
    %get3A_6 = arith.constant 0 : index
    %get3A_7 = vector.load %arg3[%get3A_5, %get3A_6] : memref<1000x128xf32, #tpu.memory_space<vmem>>, vector<1000x128xf32>
    %get3A_8 = arith.constant 0 : index
    %get3A_9 = arith.constant 0 : index
    %get3A_10 = vector.load %arg4[%get3A_8, %get3A_9] : memref<1000x128xf32, #tpu.memory_space<vmem>>, vector<1000x128xf32>
    %concatenate3A = tpu.concatenate %get3A_1, %get3A_4, %get3A_7, %get3A_10 in 1 : vector<1000x128xf32>, vector<1000x128xf32>, vector<1000x128xf32>, vector<1000x128xf32> -> vector<1000x512xf32>
    %convert_element_type3A = arith.truncf %concatenate3A : vector<1000x512xf32> to vector<1000x512xbf16>
    %get3A_11 = arith.constant 0 : index
    %get3A_12 = arith.constant 0 : index
    %get3A_13 = vector.load %arg5[%get3A_11, %get3A_12] : memref<512x1280xbf16, #tpu.memory_space<vmem>>, vector<512x1280xbf16>
    %dot_general3A = arith.constant dense<0.000000e+00> : vector<1000x1280xf32>
    %dot_general3A_14 = tpu.matmul %convert_element_type3A, %get3A_13, %dot_general3A {dimension_numbers = #tpu.dot_dimension_numbers<[1], [0], [0], [1], [0, 0, 1, 1], [], []>, transpose_lhs_hint = false} : vector<1000x512xbf16>, vector<512x1280xbf16>, vector<1000x1280xf32> -> vector<1000x1280xf32>
    %get3A_15 = arith.constant 0 : index
    %get3A_16 = arith.constant 0 : index
    %get3A_17 = vector.load %arg6[%get3A_15, %get3A_16] : memref<1x1280xf32, #tpu.memory_space<vmem>>, vector<1x1280xf32>
    %add3A = vector.broadcast %get3A_17 : vector<1x1280xf32> to vector<1000x1280xf32>
    %add3A_18 = arith.addf %dot_general3A_14, %add3A : vector<1000x1280xf32>
    %max3A = arith.constant 0.000000e+00 : f32
    %max3A_19 = vector.broadcast %max3A : f32 to vector<1000x1280xf32>
    %max3A_20 = arith.maximumf %add3A_18, %max3A_19 : vector<1000x1280xf32>
    %convert_element_type3A_21 = arith.truncf %max3A_20 : vector<1000x1280xf32> to vector<1000x1280xbf16>
    %get3A_22 = arith.constant 0 : index
    %get3A_23 = arith.constant 0 : index
    %get3A_24 = vector.load %arg7[%get3A_22, %get3A_23] : memref<1280x2432xbf16, #tpu.memory_space<vmem>>, vector<1280x2432xbf16>
    %dot_general3A_25 = arith.constant dense<0.000000e+00> : vector<1000x2432xf32>
    %dot_general3A_26 = tpu.matmul %convert_element_type3A_21, %get3A_24, %dot_general3A_25 {dimension_numbers = #tpu.dot_dimension_numbers<[1], [0], [0], [1], [0, 0, 1, 1], [], []>, transpose_lhs_hint = false} : vector<1000x1280xbf16>, vector<1280x2432xbf16>, vector<1000x2432xf32> -> vector<1000x2432xf32>
    %get3A_27 = arith.constant 0 : index
    %get3A_28 = arith.constant 0 : index
    %get3A_29 = vector.load %arg8[%get3A_27, %get3A_28] : memref<1x2432xf32, #tpu.memory_space<vmem>>, vector<1x2432xf32>
    %add3A_30 = vector.broadcast %get3A_29 : vector<1x2432xf32> to vector<1000x2432xf32>
    %add3A_31 = arith.addf %dot_general3A_26, %add3A_30 : vector<1000x2432xf32>
    %swap3A = arith.constant 0 : index
    %swap3A_32 = arith.constant 0 : index
    %swap3A_33 = vector.load %arg9[%swap3A, %swap3A_32] : memref<1000x2432xf32, #tpu.memory_space<vmem>>, vector<1000x2432xf32>
    tpu.vector_store %arg9[%swap3A, %swap3A_32], %add3A_31 {strides = array<i32>} : memref<1000x2432xf32, #tpu.memory_space<vmem>>, vector<1000x2432xf32>,
    return
  }
  func.func @transform_0(%arg0: i32) -> (i32, i32) {
    %c0_i32 = arith.constant 0 : i32
    %c0_i32_0 = arith.constant 0 : i32
    return %arg0, %c0_i32 : i32, i32
  }
  func.func @transform_1(%arg0: i32) -> (i32, i32) {
    %c0_i32 = arith.constant 0 : i32
    %c0_i32_0 = arith.constant 0 : i32
    return %arg0, %c0_i32 : i32, i32
  }
  func.func @transform_2(%arg0: i32) -> (i32, i32) {
    %c0_i32 = arith.constant 0 : i32
    %c0_i32_0 = arith.constant 0 : i32
    return %arg0, %c0_i32 : i32, i32
  }
  func.func @transform_3(%arg0: i32) -> (i32, i32) {
    %c0_i32 = arith.constant 0 : i32
    %c0_i32_0 = arith.constant 0 : i32
    return %arg0, %c0_i32 : i32, i32
  }
  func.func @transform_4(%arg0: i32) -> (i32, i32) {
    %c0_i32 = arith.constant 0 : i32
    %c0_i32_0 = arith.constant 0 : i32
    %c0_i32_1 = arith.constant 0 : i32
    return %c0_i32, %c0_i32_0 : i32, i32
  }
  func.func @transform_5(%arg0: i32) -> (i32, i32) {
    %c0_i32 = arith.constant 0 : i32
    %c0_i32_0 = arith.constant 0 : i32
    %c0_i32_1 = arith.constant 0 : i32
    return %c0_i32, %c0_i32_0 : i32, i32
  }
  func.func @transform_6(%arg0: i32) -> (i32, i32) {
    %c0_i32 = arith.constant 0 : i32
    %c0_i32_0 = arith.constant 0 : i32
    %c0_i32_1 = arith.constant 0 : i32
    return %c0_i32, %c0_i32_0 : i32, i32
  }
  func.func @transform_7(%arg0: i32) -> (i32, i32) {
    %c0_i32 = arith.constant 0 : i32
    %c0_i32_0 = arith.constant 0 : i32
    %c0_i32_1 = arith.constant 0 : i32
    return %c0_i32, %c0_i32_0 : i32, i32
  }
  func.func @transform_8(%arg0: i32) -> (i32, i32) {
    %c0_i32 = arith.constant 0 : i32
    %c0_i32_0 = arith.constant 0 : i32
    return %arg0, %c0_i32 : i32, i32
  }
}

</mosaic_0001>

<sc_bundles>
// kernel: kernel.4.cloned.1.call-start
scs
__scs_entry_jumppad:
0x0: {  	(pc) =	sbr.rel $0x88, $3  }
0x1: {  	(tag) =	ssettag $0x0;
	lr =	simm.s32 $0x1  }
0x2: {  	[smem:$0x3F98] =	sst lr;
	_ =	strace $0xD0000000  }
0x3: {  	_ = 	snop  }
0x4: {  	_ = 	snop  }
0x5: {  	_ = 	snop  }
0x6: {  	_ = 	snop  }
0x7: {  	_ = 	snop  }
__scs_overlays_trampoline_lowered:
0x8: {  	[smem:$0x3FA7] =	sst s0  }
0x9: {  	[smem:$0x3FA8] =	sst s1  }
0xa: {  	[smem:$0x3FA9] =	sst s2  }
0xb: {  	[smem:$0x3FAA] =	sst s3  }
0xc: {  	[smem:$0x3FAB] =	sst s4  }
0xd: {  	[smem:$0x3FAC] =	sst s5  }
0xe: {  	[smem:$0x3FAD] =	sst s6  }
0xf: {  	[smem:$0x3FAE] =	sst s7  }
0x10: {  	[smem:$0x3FAF] =	sst s8  }
0x11: {  	[smem:$0x3FB0] =	sst s9;
	s0 =	simm.s32 @!p0 $0x0  }
0x12: {  	s1 =	sld [smem:$0x3F96];
	s0 =	simm.s32 @p0 $0x1  }
0x13: {  	[smem:$0x3FB1] =	sst s0;
	s0 =	simm.s32 @!p1 $0x0  }
0x14: {  	s2 =	sld [smem:$0x3F95];
	s0 =	simm.s32 @p1 $0x1  }
0x15: {  	[smem:$0x3FB2] =	sst s0;
	s0 =	simm.s32 @!p2 $0x0  }
0x16: {  	s3 =	sld [smem:$0x3FDB];
	s0 =	simm.s32 @p2 $0x1  }
0x17: {  	s4 =	simm.s32 $0x1BF5;
	[smem:$0x3FB4] =	sst s0  }
0x18: {  	s0 =	sld [smem:$0x3F97];
	_ =	swait.ge [sflag:s4], $0x0  }
0x19: {  	s7 =	sld [smem:$0x3F98]  }
0x1a: {  	s8 =	sadd.s32 $0xFFFFE003, lr  }
0x1b: {  	s9 =	sadd.s32 $0xFFFFFEF7, lr;
	s5 =	simm.s32 $0xFFFFFFFF;
	p2 =	slt.u32 s8, $0xFFFFF086  }
0x1c: {  	p1 =	slt.u32 s9, $0xF7A;
	s5 =	simm.s32 @!p2 $0x0  }
0x1d: {  	s5 =	simm.s32 @p1 $0x1;
	p0 =	seq.s32 s7, s2  }
0x1e: {  	s7 =	smul.u32 @!p0 $0xF7A, s2;
	p2 =	seq.s32 @!p0 s5, $0x0  }
0x1f: {  	s9 =	smul.u32 $0xF7A, s1;
	s8 =	simm.s32 @!p0 $0x1BF5;
	p2 =	por !p2, p0  }
0x20: {  	[sflag:s8] =	ssyncset.s32 @!p0 $0xFFFFF086;
	s6 =	sadd.s32 @!p0 s3, s7;
	s7 =	simm.s32 @!p0 $0x108  }
0x21: {  	s3 =	sadd.s32 s3, s9;
	s6 =	sadd.s32 @!p0 $0x88, s6;
	s7 =	simm.s32 @p2 $0x1082  }
0x22: {  	[simem:s7], [sflag:s8] =	dma.local @!p0 [hbm:s6], $0xF7A  }
0x23: {  	s9 =	sor.u32 $0xD0000000, s2;
	s6 =	simm.s32 $0x108;
	_ =	swait.ge @!p0 [sflag:s8], $0x0  }
0x24: {  	s3 =	sadd.s32 $0x88, s3;
	s6 =	simm.s32 @!p1 $0x1082;
	[sflag:s4] =	ssyncset.s32 $0xFFFFF086  }
0x25: {  	[simem:s6], [sflag:s4] =	dma.local [hbm:s3], $0xF7A  }
0x26: {  	[smem:$0x3F98] =	sst s1;
	(tag) =	ssettag s2;
	_ =	strace s9  }
0x27: {  	s1 =	sld [smem:$0x3FA8]  }
0x28: {  	s2 =	sld [smem:$0x3FA9]  }
0x29: {  	s4 =	sld [smem:$0x3FAB]  }
0x2a: {  	p0 =	seq.s32 s5, $0x0;
	s5 =	sld [smem:$0x3FAC]  }
0x2b: {  	s6 =	sld [smem:$0x3FAD]  }
0x2c: {  	s7 =	sld [smem:$0x3FAE]  }
0x2d: {  	s3 =	simm.s32 $0x108;
	s8 =	sld [smem:$0x3FAF]  }
0x2e: {  	s3 =	simm.s32 @!p0 $0x1082;
	s9 =	sld [smem:$0x3FB0]  }
0x2f: {  	lr =	sadd.s32 s0, s3;
	s0 =	sld [smem:$0x3FA7]  }
0x30: {  	s3 =	sld [smem:$0x3FAA]  }
0x31: {  	[smem:$0x3FB3] =	sst s10  }
0x32: {  	s10 =	sld [smem:$0x3FB1];
	_ =	sdelay $0x3  }
0x33: {  	p0 =	seq.s32 s10, $0x1;
	s10 =	sld [smem:$0x3FB3];
	_ =	sdelay $0x3  }
0x34: {  	[smem:$0x3FB3] =	sst s10  }
0x35: {  	s10 =	sld [smem:$0x3FB2];
	_ =	sdelay $0x3  }
0x36: {  	p1 =	seq.s32 s10, $0x1;
	s10 =	sld [smem:$0x3FB3];
	_ =	sdelay $0x3  }
0x37: {  	[smem:$0x3FB3] =	sst s10  }
0x38: {  	s10 =	sld [smem:$0x3FB4]  }
0x39: {  	_ = 	snop;
	(pc) =	sbr.ind lr, $3  }
0x3a: {  	_ = 	snop  }
0x3b: {  	_ = 	snop  }
0x3c: {  	p2 =	seq.s32 s10, $0x1;
	s10 =	sld [smem:$0x3FB3]  }
0x3d: {  	_ =	shalt  }
0x3e: {  	_ =	shalt  }
0x3f: {  	_ =	shalt  }
0x40: {  	_ =	shalt  }
0x41: {  	_ =	shalt  }
0x42: {  	_ =	shalt  }
0x43: {  	_ =	shalt  }
0x44: {  	_ =	shalt  }
0x45: {  	_ =	shalt  }
0x46: {  	_ =	shalt  }
0x47: {  	_ =	shalt  }
0x48: {  	_ =	shalt  }
0x49: {  	_ =	shalt  }
0x4a: {  	_ =	shalt  }
0x4b: {  	_ =	shalt  }
0x4c: {  	_ =	shalt  }
0x4d: {  	_ =	shalt  }
0x4e: {  	_ =	shalt  }
0x4f: {  	_ =	shalt  }
0x50: {  	_ =	shalt  }
0x51: {  	_ =	shalt  }
0x52: {  	_ =	shalt  }
0x53: {  	_ =	shalt  }
0x54: {  	_ =	shalt  }
0x55: {  	_ =	shalt  }
0x56: {  	_ =	shalt  }
0x57: {  	_ =	shalt  }
0x58: {  	_ =	shalt  }
0x59: {  	_ =	shalt  }
0x5a: {  	_ =	shalt  }
0x5b: {  	_ =	shalt  }
0x5c: {  	_ =	shalt  }
0x5d: {  	_ =	shalt  }
0x5e: {  	_ =	shalt  }
0x5f: {  	_ =	shalt  }
0x60: {  	_ =	shalt  }
0x61: {  	_ =	shalt  }
0x62: {  	_ =	shalt  }
0x63: {  	_ =	shalt  }
0x64: {  	_ =	shalt  }
0x65: {  	_ =	shalt  }
0x66: {  	_ =	shalt  }
0x67: {  	_ =	shalt  }
0x68: {  	_ =	shalt  }
0x69: {  	_ =	shalt  }
0x6a: {  	_ =	shalt  }
0x6b: {  	_ =	shalt  }
0x6c: {  	_ =	shalt  }
0x6d: {  	_ =	shalt  }
0x6e: {  	_ =	shalt  }
0x6f: {  	_ =	shalt  }
0x70: {  	_ =	shalt  }
0x71: {  	_ =	shalt  }
0x72: {  	_ =	shalt  }
0x73: {  	_ =	shalt  }
0x74: {  	_ =	shalt  }
0x75: {  	_ =	shalt  }
0x76: {  	_ =	shalt  }
0x77: {  	_ =	shalt  }
0x78: {  	_ =	shalt  }
0x79: {  	_ =	shalt  }
0x7a: {  	_ =	shalt  }
0x7b: {  	_ =	shalt  }
0x7c: {  	_ =	shalt  }
0x7d: {  	_ =	shalt  }
0x7e: {  	_ =	shalt  }
0x7f: {  	_ =	shalt  }
0x80: {  	_ =	shalt  }
0x81: {  	_ =	shalt  }
0x82: {  	_ =	shalt  }
0x83: {  	_ =	shalt  }
0x84: {  	_ =	shalt  }
0x85: {  	_ =	shalt  }
0x86: {  	_ =	shalt  }
0x87: {  	_ =	shalt  }
.Lfunc_end0:
.L_simem_size_0:
called_computation.1_lowered:
.L_overlay_start_0:
0x88: {  	s2 =	sld [smem:$0x3FD9]  }
0x89: {  	s3 =	sld [smem:$0x3FFE];
	_ =	sdelay $0x1  }
0x8a: {  	s1 =	srdreg.scid  }
0x8b: {  	s0 =	sand.u32 $0x1, s1  }
0x8c: {  	s17 =	sshll.u32 s0, $0xA;
	s2 =	sadd.s32 s3, s2  }
0x8d: {  	s2 =	sadd.s32 s2, s17  }
0x8e: {  	[smem:$0x3FBF] =	sst s2  }
0x8f: {  	_ = 	snop  }
0x90: {  	s2 =	sld [smem:$0x3FC6]  }
0x91: {  	s18 =	sld [smem:$0x3FC5];
	(tm) =	ssettm $0x1  }
0x92: {  	s4 =	sld [smem:$0x3FFB];
	_ =	sdelay $0x3  }
0x93: {  	_ =	strace s4  }
0x94: {  	s4 =	sld [smem:$0x3FFC];
	_ =	sdelay $0x3  }
0x95: {  	_ =	strace s4  }
0x96: {  	s4 =	sld [smem:$0x3FFD];
	_ =	sdelay $0x3  }
0x97: {  	_ =	strace s4  }
0x98: {  	_ =	strace $0x8FFFFFFF  }
0x99: {  	s19 =	sld [smem:$0x3FDB];
	_ =	sdelay $0x1  }
0x9a: {  	s5 =	simm.s32 $_scs_section_size  }
0x9b: {  	s6 =	simm.s32 $_size__tile_overlayer_lowered;
	s7 =	simm.s32 $_tile_overlayer_lowered  }
0x9c: {  	s22 =	simm.s32 $0x1BFF;
	s21 =	sshll.u32 s7, $0x1;
	s4 =	sadd.s32 s5, s19  }
0x9d: {  	s8 =	simm.s32 $0x0;
	s20 =	sshll.u32 s6, $0x1;
	s6 =	sadd.s32 s21, s4  }
0x9e: {  	[timem:s8], [sflag:s22] =	dma.local [hbm:s6], s20  }
0x9f: {  	_ =	swait.ge [sflag:s22], s20  }
0xa0: {  	s5 =	ssub.s32 $0x0, s20;
	[sflag:s22] =	ssyncset.done $0x0  }
0xa1: {  	[sflag:s22] =	ssyncadd.s32 s5;
	_ =	sdelay $0x1  }
0xa2: {  	s23 =	simm.s32 $0x1B8B  }
0xa3: {  	_ =	swait.ge [sflag:s23], $0x1  }
0xa4: {  	[sflag:s23] =	ssyncset.done $0x0  }
0xa5: {  	s25 =	simm.s32 $0x1B8E;
	s24 =	sld [smem:$0x3FFE];
	[sflag:s23] =	ssyncadd.s32 $0xFFFFFFFF  }
0xa6: {  	s26 =	simm.s32 $execute0_lowered;
	[smem:$0x3FD2] =	sst s25  }
0xa7: {  	s6 =	sshll.u32 s26, $0x1;
	_ =	strace $0x80000046;
	[dreg:$0x1] =	wrdreg $0xFFFFFFFF  }
0xa8: {  	s28 =	simm.s32 $_size_execute0_lowered;
	s4 =	sadd.s32 s4, s6;
	[dreg:$0x0] =	wrdreg $0x0  }
0xa9: {  	s6 =	sshll.u32 s28, $0x1;
	[dreg:$0x2] =	wrdreg s4  }
0xaa: {  	[dreg:$0x3] =	wrdreg s6  }
0xab: {  	[dreg:$0x4] =	wrdreg $0xC0  }
0xac: {  	_ =	task [dreg:s8], $0x5FFFF  }
0xad: {  	[dreg:$0x1] =	wrdreg $0xFFFFFFFF  }
0xae: {  	[dreg:$0x0] =	wrdreg $0x60  }
0xaf: {  	[dreg:$0x2] =	wrdreg s2  }
0xb0: {  	[dreg:$0x3] =	wrdreg s18  }
0xb1: {  	[dreg:$0x4] =	wrdreg s24  }
0xb2: {  	[dreg:$0x5] =	wrdreg $0x9  }
0xb3: {  	_ =	task.clear_ibuf [dreg:s8], $0x6FFFF;
	_ =	strace $0x90000046  }
0xb4: {  	s29 =	simm.s32 $0x9;
	_ =	strace $0x80000048  }
0xb5: {  	_ =	swait.ge [sflag:s29], $0x1  }
0xb6: {  	[sflag:s29] =	ssyncadd.s32 $0xFFFFFFFF  }
0xb7: {  	_ =	strace $0x90000048  }
0xb8: {  	_ =	sfence  }
0xb9: {  	s30 =	sld [smem:$0x0];
	_ =	sdelay $0x2  }
0xba: {  	s31 =	sshll.u32 s1, $0xD;
	s1 =	sshrl.u32 s1, $0x2  }
0xbb: {  	s3 =	sand.u32 $0x4000, s31;
	s1 =	sadd.s32 s1, s30  }
0xbc: {  	s0 =	sor.u32 s3, s0;
	s1 =	sshll.u32 s1, $0x11  }
0xbd: {  	s0 =	sor.u32 s1, s0  }
0xbe: {  	s0 =	sadd.s32 $0x8F2B, s0  }
0xbf: {  	[sflag:s0] =	ssyncadd.remote.s32 $0x1  }
0xc0: {  	_ =	sfence.sel $0xFFFF  }
0xc1: {  	[dreg:$0x0] =	wrdreg $0xFFFFFFFF;
	(pc) =	sbr.abs _section_cstart, $3  }
0xc2: {  	[dreg:$0x1] =	wrdreg $0xFFFFFFFF  }
0xc3: {  	_ =	task.clear_ibuf [dreg:s8], $0x2FFFF;
	_ =	strace $0x9FFFFFFF  }
0xc4: {  	(tm) =	ssettm $0x7FFFFFFF  }
0xc5: {  	_ =	shalt  }
tec
execute0_lowered:
.L_overlay_start_1:
0x0: {  	(tag) =	ssettag $0x1  }
0x1: {  	s1 =	rddreg [dreg:$0x0]  }
0x2: {  	s2 =	rddreg [dreg:$0x1]  }
0x3: {  	s5 =	rddreg [dreg:$0x2];
	s3 =	srdreg.scid  }
0x4: {  	s0 =	rddreg [dreg:$0x3];
	s4 =	simm.s32 $0x0;
	s10 =	simm.s32 $0x2B80  }
0x5: {  	s11 =	simm.s32 $0x0;
	s6 =	sand.u32 $0x1, s3;
	[smem:$0x7FF] =	sst s4  }
0x6: {  	s3 =	stileid.u32;
	s5 =	sadd.s32 $0x1200, s5;
	s7 =	ssub.s32 $0x2, s6  }
0x7: {  	_ =	strace $0x80000047;
	s9 =	sshll.u32 s3, $0x1;
	s8 =	sshrl.u32 s7, $0x1  }
0x8: {  	s6 =	sor.u32 s6, s9;
	s9 =	simm.s32 $0x400;
	s7 =	ssub.s32 s7, s8  }
0x9: {  	s6 =	smul.u32 $0x30D40, s6;
	s8 =	simm.s32 $0x1;
	s7 =	smax.u32 s7, $0x1  }
.LBB2_1:
0xa: {  	[tilespmem:s4], [sflag:$0x1] =	stream.linear.gather [hbm4b:s1+s4], $0x400, $0x38;
	[tilespmem:$0x5300] =	vst v63  }
0xb: {  	_ =	swait.ge [sflag:s8], $0x400  }
0xc: {  	[sflag:s8] =	ssyncset.done $0x0  }
0xd: {  	s12 =	simm.s32 $0x0;
	[sflag:s8] =	ssyncadd.s32 $0xFFFFFC00  }
.LBB2_2:
0xe: {  	s13 =	smul.u32 $0x2710, s12;
	_ =	sdelay $0x1  }
0xf: {  	s13 =	sadd.s32 s6, s13  }
0x10: {  	s13 =	sshrl.u32 s13, $0x3  }
0x11: {  	s14 =	sadd.s32 s2, s13  }
0x12: {  	[tilespmem:s9], [sflag:$0x1] =	stream.linear.gather [hbm4b:s14+s4], $0x2710, $0x38;
	[tilespmem:$0x5300] =	vst v63  }
0x13: {  	_ =	swait.ge [sflag:s8], $0x2710  }
0x14: {  	s15 =	simm.s32 $0x440;
	[sflag:s8] =	ssyncset.done $0x0  }
0x15: {  	s16 =	simm.s32 $0x2BC0;
	s14 =	simm.s32 $0xFFFFFFF8;
	[sflag:s8] =	ssyncadd.s32 $0xFFFFD8F0  }
.LBB2_3:
0x16: {  	v0 =	vld [tilespmem:s15+$0xFFFFFFC0];
	_ =	sdelay $0x7  }
0x17: {  	v0 =	vld.idx.msk [tilespmem:v0+s4+$0x0], $0xffff;
	_ =	sdelay $0x4  }
0x18: {  	[tilespmem:s16+$0xFFFFFFC0] =	vst v0  }
0x19: {  	v0 =	vld [tilespmem:s15+$0xFFFFFFD0];
	_ =	sdelay $0x7  }
0x1a: {  	v0 =	vld.idx.msk [tilespmem:v0+s4+$0x0], $0xffff;
	_ =	sdelay $0x4  }
0x1b: {  	[tilespmem:s16+$0xFFFFFFD0] =	vst v0  }
0x1c: {  	v0 =	vld [tilespmem:s15+$0xFFFFFFE0];
	_ =	sdelay $0x7  }
0x1d: {  	v0 =	vld.idx.msk [tilespmem:v0+s4+$0x0], $0xffff;
	_ =	sdelay $0x4  }
0x1e: {  	[tilespmem:s16+$0xFFFFFFE0] =	vst v0  }
0x1f: {  	v0 =	vld [tilespmem:s15+$0xFFFFFFF0];
	_ =	sdelay $0x7  }
0x20: {  	v0 =	vld.idx.msk [tilespmem:v0+s4+$0x0], $0xffff;
	_ =	sdelay $0x4  }
0x21: {  	[tilespmem:s16+$0xFFFFFFF0] =	vst v0  }
0x22: {  	v0 =	vld [tilespmem:s15+$0x0];
	_ =	sdelay $0x7  }
0x23: {  	v0 =	vld.idx.msk [tilespmem:v0+s4+$0x0], $0xffff;
	_ =	sdelay $0x4  }
0x24: {  	[tilespmem:s16+$0x0] =	vst v0  }
0x25: {  	v0 =	vld [tilespmem:s15+$0x10];
	_ =	sdelay $0x7  }
0x26: {  	v0 =	vld.idx.msk [tilespmem:v0+s4+$0x0], $0xffff;
	_ =	sdelay $0x4  }
0x27: {  	[tilespmem:s16+$0x10] =	vst v0  }
0x28: {  	v0 =	vld [tilespmem:s15+$0x20];
	_ =	sdelay $0x7  }
0x29: {  	v0 =	vld.idx.msk [tilespmem:v0+s4+$0x0], $0xffff;
	_ =	sdelay $0x4  }
0x2a: {  	[tilespmem:s16+$0x20] =	vst v0  }
0x2b: {  	v0 =	vld [tilespmem:s15+$0x30];
	_ =	sdelay $0x6  }
0x2c: {  	s14 =	sadd.s32 $0x8, s14  }
0x2d: {  	p0 =	slt.u32 s14, $0x268;
	v0 =	vld.idx.msk [tilespmem:v0+s4+$0x0], $0xffff  }
.Ltmp0:
0x2e: {  	_ = 	snop;
	(pc) =	sbr.rel @p0 .LBB2_3-.Ltmp0, $2  }
0x2f: {  	_ =	sdelay $0x2  }
0x30: {  	s15 =	sadd.s32 $0x80, s15;
	[tilespmem:s16+$0x30] =	vst v0;
	s16 =	sadd.s32 $0x80, s16  }
0x31: {  	v0 =	vld [tilespmem:$0x2B00];
	_ =	sdelay $0x7  }
0x32: {  	v0 =	vld.idx.msk [tilespmem:v0+s4+$0x0], $0xffff;
	_ =	sdelay $0x2  }
0x33: {  	s12 =	sadd.s32 $0x1, s12  }
0x34: {  	p0 =	sne.s32 s12, $0x14  }
.Ltmp1:
0x35: {  	s13 =	sadd.s32 s5, s13;
	[tilespmem:$0x5280] =	vst v0;
	(pc) =	sbr.rel @p0 .LBB2_2-.Ltmp1, $4  }
0x36: {  	[hbm4b:s13+s4] =	stream.linear.scatter [tilespmem:s10], [sflag:$0x1], $0x2710, $0x38;
	[tilespmem:$0x5300] =	vst v63  }
0x37: {  	_ =	swait.ge [sflag:s8], $0x2710  }
0x38: {  	[sflag:s8] =	ssyncset.done $0x0  }
0x39: {  	[sflag:s8] =	ssyncadd.s32 $0xFFFFD8F0  }
0x3a: {  	s11 =	sadd.s32 $0x1, s11  }
0x3b: {  	p0 =	sne.s32 s11, s7  }
.Ltmp2:
0x3c: {  	_ = 	snop;
	(pc) =	sbr.rel @p0 .LBB2_1-.Ltmp2, $1  }
0x3d: {  	_ =	sdelay $0x3  }
0x3e: {  	_ =	sfence.sel $0x180000  }
0x3f: {  	[bflag:$0x0] =	sbarrier.arrive $0xFFFF  }
0x40: {  	p0 =	sne.s32 s3, $0x0;
	_ =	strace $0x90000047  }
0x41: {  	s0 =	sadd.s32 @!p0 $0x100000, s0;
	[bflag:$0x2] =	sbarrier.arrive $0xFFFF  }
0x42: {  	[sflag:s0] =	ssyncadd.tile.s32 @!p0 $0x1;
	_ =	shalt  }
.Lfunc_end2:
_tile_overlayer_lowered:
.L_overlay_start_2:
0x43: {  	(tag) =	ssettag $0x2  }
0x44: {  	s0 =	rddreg [dreg:$0x0];
	s2 =	stileid.u32  }
0x45: {  	s1 =	rddreg [dreg:$0x1];
	p0 =	sne.s32 s2, $0x0  }
0x46: {  	s3 =	rddreg [dreg:$0x2];
	[bflag:$0x3] =	sbarrier.arrive $0xFFFF;
	s2 =	simm.s32 @!p0 $0x1C01  }
0x47: {  	[timem:s3], [sflag:s2] =	dma.local @!p0 [hbm:s0], s1  }
0x48: {  	s0 =	simm.s32 @!p0 $0x1  }
0x49: {  	_ =	swait.ge @!p0 [sflag:s0], s1  }
0x4a: {  	s1 =	ssub.s32 @!p0 $0x0, s1;
	[sflag:s0] =	ssyncset.done @!p0 $0x0  }
0x4b: {  	[sflag:s0] =	ssyncadd.s32 @!p0 s1  }
0x4c: {  	[bflag:$0x3] =	sbarrier.arrive $0xFFFF  }
0x4d: {  	_ =	shalt  }

// kernel: sparse-core-data-format-call.cloned.1.call-start
scs
called_computation_lowered:
.L_overlay_start_0:
0x0: {  	s2 =	sld [smem:$0x3FD9]  }
0x1: {  	s3 =	sld [smem:$0x3FFE];
	_ =	sdelay $0x1  }
0x2: {  	s1 =	srdreg.scid  }
0x3: {  	s0 =	sand.u32 $0x1, s1  }
0x4: {  	s18 =	sshll.u32 s0, $0xA;
	s2 =	sadd.s32 s3, s2  }
0x5: {  	s2 =	sadd.s32 s2, s18  }
0x6: {  	[smem:$0x3FBF] =	sst s2  }
0x7: {  	_ = 	snop  }
0x8: {  	s2 =	sld [smem:$0x3FD0];
	(tm) =	ssettm $0x1  }
0x9: {  	s19 =	sld [smem:$0x3FFB];
	_ =	sdelay $0x3  }
0xa: {  	_ =	strace s19  }
0xb: {  	s3 =	sld [smem:$0x3FFC];
	_ =	sdelay $0x3  }
0xc: {  	_ =	strace s3  }
0xd: {  	s3 =	sld [smem:$0x3FFD];
	_ =	sdelay $0x3  }
0xe: {  	_ =	strace s3  }
0xf: {  	_ =	strace $0x8FFFFFFF  }
0x10: {  	s20 =	sld [smem:$0x3FDB];
	_ =	sdelay $0x1  }
0x11: {  	s4 =	simm.s32 $_scs_section_size  }
0x12: {  	s5 =	simm.s32 $_size__tile_overlayer_lowered;
	s6 =	simm.s32 $_tile_overlayer_lowered  }
0x13: {  	s23 =	simm.s32 $0x1BFF;
	s22 =	sshll.u32 s6, $0x1;
	s3 =	sadd.s32 s4, s20  }
0x14: {  	s7 =	simm.s32 $0x0;
	s21 =	sshll.u32 s5, $0x1;
	s5 =	sadd.s32 s22, s3  }
0x15: {  	[timem:s7], [sflag:s23] =	dma.local [hbm:s5], s21  }
0x16: {  	_ =	swait.ge [sflag:s23], s21  }
0x17: {  	s4 =	ssub.s32 $0x0, s21;
	[sflag:s23] =	ssyncset.done $0x0  }
0x18: {  	[sflag:s23] =	ssyncadd.s32 s4;
	_ =	sdelay $0x1  }
0x19: {  	s24 =	simm.s32 $0x1B8B  }
0x1a: {  	_ =	swait.ge [sflag:s24], $0x1  }
0x1b: {  	[sflag:s24] =	ssyncset.done $0x0  }
0x1c: {  	s26 =	simm.s32 $0x1B8E;
	s25 =	sld [smem:$0x3FFE];
	[sflag:s24] =	ssyncadd.s32 $0xFFFFFFFF  }
0x1d: {  	s27 =	simm.s32 $execute0_lowered;
	[smem:$0x3FD2] =	sst s26  }
0x1e: {  	s5 =	sshll.u32 s27, $0x1;
	_ =	strace $0x80000049;
	[dreg:$0x1] =	wrdreg $0xFFFFFFFF  }
0x1f: {  	s28 =	simm.s32 $_size_execute0_lowered;
	s3 =	sadd.s32 s3, s5;
	[dreg:$0x0] =	wrdreg $0x0  }
0x20: {  	s5 =	sshll.u32 s28, $0x1;
	[dreg:$0x2] =	wrdreg s3  }
0x21: {  	[dreg:$0x3] =	wrdreg s5  }
0x22: {  	[dreg:$0x4] =	wrdreg $0xC0  }
0x23: {  	_ =	task [dreg:s7], $0x5FFFF  }
0x24: {  	[dreg:$0x1] =	wrdreg $0xFFFFFFFF  }
0x25: {  	[dreg:$0x0] =	wrdreg $0x60  }
0x26: {  	[dreg:$0x2] =	wrdreg s25  }
0x27: {  	[dreg:$0x3] =	wrdreg s2  }
0x28: {  	[dreg:$0x4] =	wrdreg $0x9  }
0x29: {  	_ =	task.clear_ibuf [dreg:s7], $0x5FFFF;
	_ =	strace $0x90000049  }
0x2a: {  	s29 =	simm.s32 $0x9;
	_ =	strace $0x8000004B  }
0x2b: {  	_ =	swait.ge [sflag:s29], $0x1  }
0x2c: {  	[sflag:s29] =	ssyncadd.s32 $0xFFFFFFFF  }
0x2d: {  	_ =	strace $0x9000004B  }
0x2e: {  	_ =	sfence  }
0x2f: {  	s30 =	sld [smem:$0x0];
	_ =	sdelay $0x2  }
0x30: {  	s31 =	sshll.u32 s1, $0xD;
	s1 =	sshrl.u32 s1, $0x2  }
0x31: {  	s3 =	sand.u32 $0x4000, s31;
	s1 =	sadd.s32 s1, s30  }
0x32: {  	s0 =	sor.u32 s3, s0;
	s1 =	sshll.u32 s1, $0x11  }
0x33: {  	s0 =	sor.u32 s1, s0  }
0x34: {  	s0 =	sadd.s32 $0x8F2B, s0  }
0x35: {  	[sflag:s0] =	ssyncadd.remote.s32 $0x1  }
0x36: {  	_ =	sfence.sel $0xFFFF  }
0x37: {  	[dreg:$0x0] =	wrdreg $0xFFFFFFFF;
	(pc) =	sbr.abs _section_cstart, $3  }
0x38: {  	[dreg:$0x1] =	wrdreg $0xFFFFFFFF  }
0x39: {  	_ =	task.clear_ibuf [dreg:s7], $0x2FFFF;
	_ =	strace $0x9FFFFFFF  }
0x3a: {  	(tm) =	ssettm $0x7FFFFFFF  }
0x3b: {  	_ =	shalt  }
tec
execute0_lowered:
.L_overlay_start_1:
0x0: {  	(tag) =	ssettag $0x1  }
0x1: {  	s0 =	srdreg.scid  }
0x2: {  	s1 =	sshll.u32 s0, $0x4  }
0x3: {  	s0 =	stileid.u32;
	s1 =	sand.u32 $0x10, s1  }
0x4: {  	s1 =	sor.u32 s0, s1  }
0x5: {  	s6 =	rddreg [dreg:$0x0];
	s2 =	sshll.u32 s1, $0x7  }
0x6: {  	s3 =	rddreg [dreg:$0x1];
	s5 =	simm.s32 $0x1;
	s4 =	ssub.s32 $0x61A800, s2  }
0x7: {  	s31 =	simm.s32 $0x2;
	s12 =	simm.s32 $0x0;
	s30 =	sand.u32 $0xF80, s4  }
0x8: {  	s11 =	simm.s32 $0x0;
	s8 =	simm.s32 $0x0;
	p0 =	sne.s32 s30, $0x0  }
.Ltmp0:
0x9: {  	s7 =	sshrl.u32 s4, $0xC;
	s5 =	simm.s32 @!p0 $0x0;
	(pc) =	sbr.rel .LBB1_1-.Ltmp0, $4  }
0xa: {  	s10 =	simm.s32 $0x0;
	s1 =	rddreg [dreg:$0x2];
	s5 =	sadd.s32 s5, s7  }
0xb: {  	_ =	strace $0x8000004A;
	s4 =	simm.s32 $0x1;
	s5 =	smul.u32 $0x3, s5  }
0xc: {  	s6 =	sadd.s32 $0x1200, s6;
	s9 =	smov.u32 s2;
	[sflag:s4] =	ssyncpa.u1 $0x0  }
0xd: {  	[sflag:s31] =	ssyncpa.u1 $0x0;
	p0 =	por $0x0, $0x0;
	s7 =	sadd.s32 $0x1, s5  }
.LBB1_4:
0xe: {  	[tilespmem:s22+$0xFFFFFFFA ss:$0x81] =	vst.msk $0xff, v4  }
0xf: {  	v4 =	vld.msk [tilespmem:s24+$0xFFFFFFF0], $0xff;
	_ =	sdelay $0x3  }
0x10: {  	[tilespmem:s19+$0xFFFFFFFB ss:$0x81] =	vst.msk $0xff, v3  }
0x11: {  	v3 =	vld.msk [tilespmem:s21+$0xFFFFFFF8], $0xff;
	[tilespmem:s22+$0xFFFFFFFB ss:$0x81] =	vst.msk $0xff, v4  }
0x12: {  	v4 =	vld.msk [tilespmem:s24+$0xFFFFFFF8], $0xff;
	_ =	sdelay $0x3  }
0x13: {  	v5 =	vld.msk [tilespmem:s20+$0x0], $0xff;
	[tilespmem:s19+$0xFFFFFFFC ss:$0x81] =	vst.msk $0xff, v3  }
0x14: {  	v3 =	vld.msk [tilespmem:s21+$0x0], $0xff;
	[tilespmem:s22+$0xFFFFFFFC ss:$0x81] =	vst.msk $0xff, v4  }
0x15: {  	v4 =	vld.msk [tilespmem:s24+$0x0], $0xff;
	_ =	sdelay $0x2  }
0x16: {  	[tilespmem:s17+$0xFFFFFFFD ss:$0x81] =	vst.msk $0xff, v5  }
0x17: {  	v5 =	vld.msk [tilespmem:s20+$0x8], $0xff;
	[tilespmem:s19+$0xFFFFFFFD ss:$0x81] =	vst.msk $0xff, v3  }
0x18: {  	v3 =	vld.msk [tilespmem:s21+$0x8], $0xff;
	[tilespmem:s22+$0xFFFFFFFD ss:$0x81] =	vst.msk $0xff, v4  }
0x19: {  	v4 =	vld.msk [tilespmem:s24+$0x8], $0xff  }
0x1a: {  	s25 =	sshrl.u32 s12, $0x3  }
0x1b: {  	[tilespmem:s15+$0xFFFFFFFE ss:$0x81] =	vst.msk $0xff, v2;
	s26 =	sshll.u32 s11, $0x3;
	s25 =	smul.u32 $0x30D4000, s25  }
0x1c: {  	v2 =	vld.msk [tilespmem:s18+$0x10], $0xff;
	s26 =	sand.u32 $0xFFFFFC00, s26;
	[tilespmem:s17+$0xFFFFFFFE ss:$0x81] =	vst.msk $0xff, v5  }
0x1d: {  	s25 =	sadd.s32 s26, s25;
	v5 =	vld.msk [tilespmem:s20+$0x10], $0xff;
	[tilespmem:s19+$0xFFFFFFFE ss:$0x81] =	vst.msk $0xff, v3  }
0x1e: {  	s26 =	sshrl.u32 s25, $0xB;
	v3 =	vld.msk [tilespmem:s21+$0x10], $0xff;
	[tilespmem:s22+$0xFFFFFFFE ss:$0x81] =	vst.msk $0xff, v4  }
0x1f: {  	s26 =	smulhi.u32 $0x14F8B6, s26;
	v4 =	vld.msk [tilespmem:s24+$0x10], $0xff  }
0x20: {  	[tilespmem:s14+$0xFFFFFFFF ss:$0x81] =	vst.msk $0xff, v1  }
0x21: {  	v1 =	vld.msk [tilespmem:s16+$0x18], $0xff;
	[tilespmem:s15+$0xFFFFFFFF ss:$0x81] =	vst.msk $0xff, v2;
	s31 =	smul.u32 $0xAAB, s26  }
0x22: {  	v2 =	vld.msk [tilespmem:s18+$0x18], $0xff;
	[tilespmem:s17+$0xFFFFFFFF ss:$0x81] =	vst.msk $0xff, v5  }
0x23: {  	s16 =	sshrl.u32 s31, $0x10;
	v5 =	vld.msk [tilespmem:s20+$0x18], $0xff;
	s20 =	sshll.u32 s12, $0x7;
	[tilespmem:s19+$0xFFFFFFFF ss:$0x81] =	vst.msk $0xff, v3  }
0x24: {  	s27 =	sand.u32 $0x7F, s11;
	s16 =	smul.u32 $0x18, s16;
	s12 =	sand.u32 $0x380, s20;
	v3 =	vld.msk [tilespmem:s21+$0x18], $0xff;
	[tilespmem:s22+$0xFFFFFFFF ss:$0x81] =	vst.msk $0xff, v4  }
0x25: {  	[tilespmem:s13+$0x0 ss:$0x81] =	vst.msk $0xff, v0;
	s28 =	smul.u32 $0x61A800, s26;
	s11 =	sor.u32 s27, s12;
	v63 =	vld.msk [tilespmem:s24+$0x18], $0xff  }
0x26: {  	[tilespmem:s14+$0x0 ss:$0x81] =	vst.msk $0xff, v1;
	s29 =	ssub.s32 s26, s16;
	s11 =	sor.u32 s25, s11  }
0x27: {  	[tilespmem:s15+$0x0 ss:$0x81] =	vst.msk $0xff, v2;
	s30 =	sand.u32 $0xFFFF, s29;
	s11 =	ssub.s32 s11, s28  }
0x28: {  	s12 =	smul.u32 $0xC3500, s30;
	[tilespmem:s17+$0x0 ss:$0x81] =	vst.msk $0xff, v5;
	s31 =	sshrl.u32 s11, $0x3  }
0x29: {  	s13 =	sadd.s32 s3, s31;
	[tilespmem:s19+$0x0 ss:$0x81] =	vst.msk $0xff, v3  }
0x2a: {  	s11 =	sand.u32 $0x7, s11;
	s12 =	sadd.s32 s12, s13;
	[tilespmem:s22+$0x0 ss:$0x81] =	vst.msk $0xff, v63  }
0x2b: {  	[hbm4b:s12+s11] =	stream.linear.scatter [tilespmem:s23], [sflag:$0x2], $0x400, $0x20;
	[tilespmem:$0x1010] =	vst v63  }
.LBB1_5:
0x2c: {  	s13 =	sadd.s32 $0x8, s8  }
0x2d: {  	s11 =	sadd.s32 $0x1000, s9;
	s15 =	smov.u32 s9;
	p2 =	sgt.s32 s13, $0x12  }
0x2e: {  	s15 =	smov.u32 @p2 s11  }
0x2f: {  	s13 =	simm.s32 @p2 $0x0;
	p2 =	sgt.s32 s15, $0x61A7FF  }
0x30: {  	s15 =	smov.u32 @p2 s2;
	p2 =	sne.s32 s10, s7  }
.Ltmp1:
0x31: {  	p1 =	slt.u32 s10, $0x2;
	(pc) =	sbr.rel @!p2 .LBB1_6-.Ltmp1, $4  }
0x32: {  	s14 =	simm.s32 @!p1 $0x2  }
0x33: {  	s12 =	smov.u32 s8;
	p0 =	por !p0, !p0;
	_ =	swait.ge @!p1 [sflag:s14], $0x400  }
0x34: {  	s11 =	smov.u32 s9;
	[sflag:s14] =	ssyncset.done @!p1 $0x0;
	s8 =	smov.u32 s13  }
0x35: {  	s10 =	sadd.s32 $0x1, s10;
	[sflag:s14] =	ssyncadd.s32 @!p1 $0xFFFFFC00;
	s9 =	smov.u32 s15  }
.LBB1_1:
0x36: {  	p1 =	sge.u32 s10, s5  }
0x37: {  	s13 =	sshll.u32 @!p1 s9, $0x7;
	s14 =	sshll.u32 @!p1 s8, $0x3  }
0x38: {  	s15 =	sand.u32 @!p1 $0xFFFFFC00, s13;
	s14 =	sand.u32 @!p1 $0xFFFFFC00, s14  }
0x39: {  	s13 =	sand.u32 @!p1 $0x380, s13;
	s14 =	sadd.s32 @!p1 s15, s14  }
0x3a: {  	s13 =	sor.u32 @!p1 s13, s14  }
0x3b: {  	s13 =	sshrl.u32 @!p1 s13, $0x7  }
0x3c: {  	s14 =	smulhi.u32 @!p1 $0x14F8B59, s13;
	_ =	sdelay $0x1  }
0x3d: {  	s15 =	sxor.u32 @!p1 $0xFFFFFFFF, s10;
	s14 =	sshrl.u32 @!p1 s14, $0xF  }
0x3e: {  	s15 =	sshll.u32 @!p1 s15, $0xA;
	s14 =	smul.u32 @!p1 $0x61A800, s14  }
0x3f: {  	s31 =	sadd.s32 $0xFFFFFFFF, s10;
	s16 =	sshrl.u32 @!p1 s8, $0x3;
	s15 =	sand.u32 @!p1 $0x400, s15  }
0x40: {  	s13 =	ssub.s32 @!p1 s13, s14;
	s14 =	sand.u32 @!p1 $0xF, s16;
	s16 =	sand.u32 @!p1 $0x7, s8  }
0x41: {  	s13 =	sshll.u32 @!p1 s13, $0x4;
	s14 =	sadd.s32 @!p1 s6, s14;
	s16 =	sshll.u32 @!p1 s16, $0x12  }
0x42: {  	s13 =	sadd.s32 @!p1 s13, s14;
	s14 =	sor.u32 @!p1 $0x8, s16;
	s16 =	simm.s32 @!p1 $0x80  }
0x43: {  	[tilespmem:s15], [sflag:$0x1] =	stream.strided.gather @!p1 [hbm4b:s13+s14], $0x400, s16, s14, $0x38;
	[tilespmem:$0x1010] =	vst v63  }
0x44: {  	p1 =	sge.u32 s31, s5  }
.Ltmp2:
0x45: {  	_ = 	snop;
	(pc) =	sbr.rel @p1 .LBB1_5-.Ltmp2, $1  }
0x46: {  	_ =	sdelay $0x3  }
0x47: {  	s13 =	simm.s32 $0x1  }
0x48: {  	_ =	swait.ge [sflag:s4], $0x400;
	s13 =	simm.s32 @!p0 $0x0  }
0x49: {  	[sflag:s4] =	ssyncset.done $0x0;
	s14 =	sshll.u32 s13, $0xA  }
0x4a: {  	[sflag:s4] =	ssyncadd.s32 $0xFFFFFC00;
	s22 =	sor.u32 $0x20, s14  }
0x4b: {  	v0 =	vld.msk [tilespmem:s22+$0xFFFFFFE0], $0xff  }
0x4c: {  	s13 =	smul.u32 $0x1020, s13;
	_ =	sdelay $0x1  }
0x4d: {  	s13 =	sshrl.u32 s13, $0x2  }
0x4e: {  	s13 =	sor.u32 $0x807, s13  }
0x4f: {  	[tilespmem:s13+$0xFFFFFFF9 ss:$0x81] =	vst.msk $0xff, v0  }
0x50: {  	v0 =	vld.msk [tilespmem:s22+$0xFFFFFFE8], $0xff  }
0x51: {  	s16 =	sadd.s32 $0x40, s22  }
0x52: {  	v1 =	vld.msk [tilespmem:s16+$0xFFFFFFE0], $0xff;
	_ =	sdelay $0x2  }
0x53: {  	[tilespmem:s13+$0xFFFFFFFA ss:$0x81] =	vst.msk $0xff, v0  }
0x54: {  	s14 =	sadd.s32 $0x8, s13;
	v0 =	vld.msk [tilespmem:s22+$0xFFFFFFF0], $0xff  }
0x55: {  	[tilespmem:s14+$0xFFFFFFF9 ss:$0x81] =	vst.msk $0xff, v1  }
0x56: {  	v1 =	vld.msk [tilespmem:s16+$0xFFFFFFE8], $0xff  }
0x57: {  	s18 =	sadd.s32 $0x40, s16  }
0x58: {  	v2 =	vld.msk [tilespmem:s18+$0xFFFFFFE0], $0xff  }
0x59: {  	[tilespmem:s13+$0xFFFFFFFB ss:$0x81] =	vst.msk $0xff, v0  }
0x5a: {  	v0 =	vld.msk [tilespmem:s22+$0xFFFFFFF8], $0xff  }
0x5b: {  	[tilespmem:s14+$0xFFFFFFFA ss:$0x81] =	vst.msk $0xff, v1  }
0x5c: {  	s15 =	sadd.s32 $0x8, s14;
	v1 =	vld.msk [tilespmem:s16+$0xFFFFFFF0], $0xff  }
0x5d: {  	[tilespmem:s15+$0xFFFFFFF9 ss:$0x81] =	vst.msk $0xff, v2  }
0x5e: {  	s20 =	sadd.s32 $0x40, s18;
	v2 =	vld.msk [tilespmem:s18+$0xFFFFFFE8], $0xff  }
0x5f: {  	[tilespmem:s13+$0xFFFFFFFC ss:$0x81] =	vst.msk $0xff, v0;
	v0 =	vld.msk [tilespmem:s20+$0xFFFFFFE0], $0xff  }
0x60: {  	v3 =	vld.msk [tilespmem:s22+$0x0], $0xff  }
0x61: {  	[tilespmem:s14+$0xFFFFFFFB ss:$0x81] =	vst.msk $0xff, v1  }
0x62: {  	v1 =	vld.msk [tilespmem:s16+$0xFFFFFFF8], $0xff  }
0x63: {  	s17 =	sadd.s32 $0x8, s15;
	[tilespmem:s15+$0xFFFFFFFA ss:$0x81] =	vst.msk $0xff, v2  }
0x64: {  	v2 =	vld.msk [tilespmem:s18+$0xFFFFFFF0], $0xff;
	[tilespmem:s17+$0xFFFFFFF9 ss:$0x81] =	vst.msk $0xff, v0  }
0x65: {  	v0 =	vld.msk [tilespmem:s20+$0xFFFFFFE8], $0xff;
	[tilespmem:s13+$0xFFFFFFFD ss:$0x81] =	vst.msk $0xff, v3  }
0x66: {  	s21 =	sadd.s32 $0x40, s20;
	v3 =	vld.msk [tilespmem:s22+$0x8], $0xff  }
0x67: {  	[tilespmem:s14+$0xFFFFFFFC ss:$0x81] =	vst.msk $0xff, v1;
	v1 =	vld.msk [tilespmem:s21+$0xFFFFFFE0], $0xff  }
0x68: {  	v4 =	vld.msk [tilespmem:s16+$0x0], $0xff  }
0x69: {  	[tilespmem:s15+$0xFFFFFFFB ss:$0x81] =	vst.msk $0xff, v2  }
0x6a: {  	v2 =	vld.msk [tilespmem:s18+$0xFFFFFFF8], $0xff;
	[tilespmem:s17+$0xFFFFFFFA ss:$0x81] =	vst.msk $0xff, v0  }
0x6b: {  	s19 =	sadd.s32 $0x8, s17;
	v0 =	vld.msk [tilespmem:s20+$0xFFFFFFF0], $0xff;
	[tilespmem:s13+$0xFFFFFFFE ss:$0x81] =	vst.msk $0xff, v3  }
0x6c: {  	[tilespmem:s19+$0xFFFFFFF9 ss:$0x81] =	vst.msk $0xff, v1;
	v1 =	vld.msk [tilespmem:s22+$0x10], $0xff  }
0x6d: {  	[tilespmem:s14+$0xFFFFFFFD ss:$0x81] =	vst.msk $0xff, v4;
	v3 =	vld.msk [tilespmem:s21+$0xFFFFFFE8], $0xff  }
0x6e: {  	s24 =	sadd.s32 $0x40, s21;
	v4 =	vld.msk [tilespmem:s16+$0x8], $0xff  }
0x6f: {  	[tilespmem:s15+$0xFFFFFFFC ss:$0x81] =	vst.msk $0xff, v2;
	v2 =	vld.msk [tilespmem:s24+$0xFFFFFFE0], $0xff  }
0x70: {  	v5 =	vld.msk [tilespmem:s18+$0x0], $0xff;
	[tilespmem:s17+$0xFFFFFFFB ss:$0x81] =	vst.msk $0xff, v0  }
0x71: {  	v6 =	vld.msk [tilespmem:s20+$0xFFFFFFF8], $0xff;
	[tilespmem:s13+$0xFFFFFFFF ss:$0x81] =	vst.msk $0xff, v1  }
0x72: {  	s23 =	sand.u32 $0x1, s10;
	[tilespmem:s19+$0xFFFFFFFA ss:$0x81] =	vst.msk $0xff, v3;
	v0 =	vld.msk [tilespmem:s22+$0x18], $0xff  }
0x73: {  	s23 =	smul.u32 $0x1020, s23;
	[tilespmem:s14+$0xFFFFFFFE ss:$0x81] =	vst.msk $0xff, v4;
	v3 =	vld.msk [tilespmem:s21+$0xFFFFFFF0], $0xff;
	s22 =	sadd.s32 $0x8, s19  }
0x74: {  	v1 =	vld.msk [tilespmem:s16+$0x10], $0xff;
	[tilespmem:s22+$0xFFFFFFF9 ss:$0x81] =	vst.msk $0xff, v2  }
0x75: {  	s23 =	sshrl.u32 s23, $0x2;
	[tilespmem:s15+$0xFFFFFFFD ss:$0x81] =	vst.msk $0xff, v5;
	v4 =	vld.msk [tilespmem:s24+$0xFFFFFFE8], $0xff  }
0x76: {  	s25 =	simm.s32 $0x28;
	s23 =	sor.u32 $0x800, s23;
	s26 =	sadd.s32 $0x40, s24;
	v2 =	vld.msk [tilespmem:s18+$0x8], $0xff;
	[tilespmem:s17+$0xFFFFFFFC ss:$0x81] =	vst.msk $0xff, v6  }
.LBB1_3:
0x77: {  	v5 =	vld.msk [tilespmem:s26+$0xFFFFFFE0], $0xff;
	[tilespmem:s13+$0x0 ss:$0x81] =	vst.msk $0xff, v0;
	s13 =	smov.u32 s14;
	s14 =	smov.u32 s15;
	s15 =	smov.u32 s17  }
0x78: {  	s25 =	sadd.s32 $0x8, s25;
	s17 =	smov.u32 s19;
	[tilespmem:s19+$0xFFFFFFFB ss:$0x81] =	vst.msk $0xff, v3;
	v6 =	vld.msk [tilespmem:s20+$0x0], $0xff;
	s19 =	smov.u32 s22  }
0x79: {  	p1 =	slt.u32 s25, $0x78;
	v7 =	vld.msk [tilespmem:s21+$0xFFFFFFF8], $0xff;
	[tilespmem:s13+$0xFFFFFFFF ss:$0x81] =	vst.msk $0xff, v1  }
.Ltmp3:
0x7a: {  	[tilespmem:s22+$0xFFFFFFFA ss:$0x81] =	vst.msk $0xff, v4;
	v0 =	vld.msk [tilespmem:s16+$0x18], $0xff;
	s16 =	smov.u32 s18;
	s18 =	smov.u32 s20;
	(pc) =	sbr.rel @p1 .LBB1_3-.Ltmp3, $4  }
0x7b: {  	s22 =	sadd.s32 $0x8, s22;
	s20 =	smov.u32 s21;
	s21 =	smov.u32 s24;
	v3 =	vld.msk [tilespmem:s24+$0xFFFFFFF0], $0xff;
	[tilespmem:s14+$0xFFFFFFFE ss:$0x81] =	vst.msk $0xff, v2  }
0x7c: {  	s24 =	smov.u32 s26;
	[tilespmem:s22+$0xFFFFFFF9 ss:$0x81] =	vst.msk $0xff, v5;
	v1 =	vld.msk [tilespmem:s16+$0x10], $0xff  }
0x7d: {  	v4 =	vld.msk [tilespmem:s26+$0xFFFFFFE8], $0xff;
	[tilespmem:s15+$0xFFFFFFFD ss:$0x81] =	vst.msk $0xff, v6  }
0x7e: {  	s26 =	sadd.s32 $0x40, s26;
	[tilespmem:s17+$0xFFFFFFFC ss:$0x81] =	vst.msk $0xff, v7;
	v2 =	vld.msk [tilespmem:s18+$0x8], $0xff  }
.Ltmp4:
0x7f: {  	_ = 	snop;
	(pc) =	sbr.rel .LBB1_4-.Ltmp4, $1  }
0x80: {  	_ =	sdelay $0x3  }
.LBB1_6:
0x81: {  	_ =	sfence.sel $0x180000  }
0x82: {  	s2 =	simm.s32 $0x1;
	[bflag:$0x0] =	sbarrier.arrive $0xFFFF  }
0x83: {  	s31 =	simm.s32 $0x2;
	[sflag:s2] =	ssyncpa.u1 $0x1  }
0x84: {  	[sflag:s31] =	ssyncpa.u1 $0x1  }
0x85: {  	p0 =	sne.s32 s0, $0x0;
	_ =	strace $0x9000004A  }
0x86: {  	s0 =	sadd.s32 @!p0 $0x100000, s1;
	[bflag:$0x2] =	sbarrier.arrive $0xFFFF  }
0x87: {  	[sflag:s0] =	ssyncadd.tile.s32 @!p0 $0x1;
	_ =	shalt  }
.Lfunc_end1:
_tile_overlayer_lowered:
.L_overlay_start_2:
0x88: {  	(tag) =	ssettag $0x2  }
0x89: {  	s0 =	rddreg [dreg:$0x0];
	s2 =	stileid.u32  }
0x8a: {  	s1 =	rddreg [dreg:$0x1];
	p0 =	sne.s32 s2, $0x0  }
0x8b: {  	s3 =	rddreg [dreg:$0x2];
	[bflag:$0x3] =	sbarrier.arrive $0xFFFF;
	s2 =	simm.s32 @!p0 $0x1C01  }
0x8c: {  	[timem:s3], [sflag:s2] =	dma.local @!p0 [hbm:s0], s1  }
0x8d: {  	s0 =	simm.s32 @!p0 $0x1  }
0x8e: {  	_ =	swait.ge @!p0 [sflag:s0], s1  }
0x8f: {  	s1 =	ssub.s32 @!p0 $0x0, s1;
	[sflag:s0] =	ssyncset.done @!p0 $0x0  }
0x90: {  	[sflag:s0] =	ssyncadd.s32 @!p0 s1  }
0x91: {  	[bflag:$0x3] =	sbarrier.arrive $0xFFFF  }
0x92: {  	_ =	shalt  }

</sc_bundles>
